<compile_context>
chip_gen: v7x
topology: tpu7x:2x2x1
jax: 0.10.2.dev20260603
libtpu: 0.0.44.dev20260713+nightly
codegen_flags: <defaults>
</compile_context>

<pallas_src>
import functools

import jax
import jax.numpy as jnp
from jax import lax
from jax.experimental import pallas as pl
from jax.experimental.pallas import tpu as pltpu
from jax.experimental.pallas import tpu_sc as plsc

_SEQ = 2048
_D = 32
_TAB_ROWS = 255
_F_ROWS = 4096
_CHUNK = _F_ROWS // 16
_CHUNK_B = _CHUNK + 7
_ROW_W = _SEQ * _D
_FK_W = _F_ROWS * _D
_L = 16
_VROW = 128
_ROW_VR = _ROW_W // _VROW


def _build_body(table_hbm, f4_hbm, tab_ref, chunk_ref, csem):
    sid = lax.axis_index("s")

    pltpu.sync_copy(table_hbm, tab_ref)

    c254_a = tab_ref[pl.ds(254 * _D, _L)]
    c254_b = tab_ref[pl.ds(254 * _D + _L, _L)]
    c0_a = tab_ref[pl.ds(0, _L)]
    c0_b = tab_ref[pl.ds(_L, _L)]

    m0 = sid * _CHUNK
    m1 = m0 + _CHUNK_B
    e_pre = jnp.clip(1921, m0, m1)
    e_band = jnp.clip(2174, m0, m1)

    def fill_const_pre(m, _):
        o = (m - m0) * _D
        chunk_ref[pl.ds(o, _L)] = c254_a
        chunk_ref[pl.ds(o + _L, _L)] = c254_b
        return _

    def fill_band(m, _):
        o = (m - m0) * _D
        src = (2174 - m) * _D
        chunk_ref[pl.ds(o, _L)] = tab_ref[pl.ds(src, _L)]
        chunk_ref[pl.ds(o + _L, _L)] = tab_ref[pl.ds(src + _L, _L)]
        return _

    def fill_const_post(m, _):
        o = (m - m0) * _D
        chunk_ref[pl.ds(o, _L)] = c0_a
        chunk_ref[pl.ds(o + _L, _L)] = c0_b
        return _

    lax.fori_loop(m0, e_pre, fill_const_pre, 0)
    lax.fori_loop(e_pre, e_band, fill_band, 0)
    lax.fori_loop(e_band, m1, fill_const_post, 0)

    @pl.when(lax.axis_index("c") == 0)
    def _():
        fills = [
            pltpu.async_copy(
                chunk_ref.at[pl.ds(k * _D, _CHUNK * _D)],
                f4_hbm.at[pl.ds(k * _FK_W + m0 * _D, _CHUNK * _D)],
                csem,
            )
            for k in range(8)
        ]
        for cp in fills:
            cp.wait()


def _tc_emit_body(f8_hbm, out_hbm, f_vmem, lsem, osem):
    cp = pltpu.make_async_copy(f8_hbm, f_vmem, lsem)
    cp.start()
    cp.wait()

    def fire(i, _):
        s = 2047 - i
        k = s % 8
        row = k * _F_ROWS + (s - k)
        pltpu.make_async_copy(
            f_vmem.at[pl.ds(row, _SEQ), :],
            out_hbm.at[i],
            osem,
        ).start()
        return _

    lax.fori_loop(0, _SEQ, fire, 0)

    def drain(i, _):
        pltpu.make_async_copy(
            f_vmem.at[pl.ds(0, _SEQ), :],
            out_hbm.at[0],
            osem,
        ).wait()
        return _

    lax.fori_loop(0, _SEQ, drain, 0)


def kernel(seq_len, rel_pos_emb):
    del seq_len
    vmesh = plsc.VectorSubcoreMesh(core_axis_name="c", subcore_axis_name="s")
    build = functools.partial(
        pl.kernel,
        mesh=vmesh,
        out_type=jax.ShapeDtypeStruct((8 * _FK_W,), jnp.float32),
        scratch_types=[
            pltpu.VMEM((_TAB_ROWS * _D,), jnp.float32),
            pltpu.VMEM((_CHUNK_B * _D,), jnp.float32),
            pltpu.SemaphoreType.DMA,
        ],
    )(_build_body)

    emit = pl.pallas_call(
        _tc_emit_body,
        in_specs=[pl.BlockSpec(memory_space=pl.ANY)],
        out_specs=pl.BlockSpec(memory_space=pl.ANY),
        out_shape=jax.ShapeDtypeStruct((_SEQ, _SEQ, _D), jnp.float32),
        scratch_shapes=[
            pltpu.VMEM((8 * _F_ROWS, _D), jnp.float32),
            pltpu.SemaphoreType.DMA,
            pltpu.SemaphoreType.DMA,
        ],
    )

    f8 = build(rel_pos_emb.reshape(-1))
    return emit(f8.reshape(8 * _F_ROWS, _D))

# --- scband reference (transcript-rebuilt; emitter-appended) ---
"""Pipeline reference for scband-relative-position-encoding-11587821765318 (READ-ONLY COPY).

The authoritative reference and input builder live on the scoring server;
editing this copy changes nothing except your own understanding.
"""

import jax, jax.numpy as jnp
import numpy as np

EMBED_DIM = 1024
NUM_HEADS = 32
HEAD_DIM = EMBED_DIM // NUM_HEADS
MAX_REL_POS = 128
SEQ_LEN = 2048


def setup_inputs(seed: int = 0) -> dict:
    key = jax.random.key(seed)
    rel_pos_emb = jax.random.normal(key, (2 * MAX_REL_POS - 1, HEAD_DIM), dtype=jnp.float32)
    return {"seq_len": SEQ_LEN, "rel_pos_emb": rel_pos_emb}


def reference(seq_len, rel_pos_emb):
    # forward(): build relative position index matrix [S, S]
    offset = jnp.asarray(seq_len, dtype=jnp.int32) - SEQ_LEN
    pos_i = (jnp.arange(SEQ_LEN, dtype=jnp.int32) + offset)[:, None]
    pos_j = (jnp.arange(SEQ_LEN, dtype=jnp.int32) + offset)[None, :]
    rel_pos = pos_i - pos_j
    rel_pos = jnp.clip(rel_pos, -MAX_REL_POS + 1, MAX_REL_POS - 1)
    rel_pos = rel_pos + MAX_REL_POS - 1
    # get_embeddings(): gather [S, S, head_dim] from the learned table
    emb = jnp.take(rel_pos_emb, rel_pos, axis=0)
    return emb

if __name__ == "__main__":
    import jax
    _d = setup_inputs()
    print(jax.jit(kernel)(*tuple(_d.values())))

</pallas_src>

<mosaic_0001>
#map = affine_map<(d0, d1) -> (0)>
module attributes {stable_mosaic.version = 14 : i64} {
  func.func @_build_body(%arg0: i32, %arg1: i32, %arg2: memref<8160xf32, #tpu.memory_space<hbm>>, %arg3: memref<1048576xf32, #tpu.memory_space<hbm>>, %arg4: memref<8160xf32, #tpu.memory_space<vmem>>, %arg5: memref<8416xf32, #tpu.memory_space<vmem>>, %arg6: memref<!tpu.dma_semaphore, #tpu.memory_space<semaphore_mem>>) attributes {dimension_semantics = [#tpu.dimension_semantics<core_parallel>, #tpu.dimension_semantics<subcore_parallel>], iteration_bounds = array<i64: 2, 16>, scalar_prefetch = 0 : i64, scratch_operands = 3 : i64, tpu.core_type = #tpu.core_type<sc_vector_subcore>, window_params = [{transform_indices = #map}, {transform_indices = #map}]} {
    "tpu.region"() ({
      %run_scoped3A = tpu.sem_alloc : memref<!tpu.dma_semaphore, #tpu.memory_space<semaphore_mem>>
      tpu.enqueue_dma source(%arg2 : memref<8160xf32, #tpu.memory_space<hbm>>) target(%arg4 : memref<8160xf32, #tpu.memory_space<vmem>>) target_semaphore(%run_scoped3A : memref<!tpu.dma_semaphore, #tpu.memory_space<semaphore_mem>>)
      tpu.wait_dma2 semaphore(%run_scoped3A : memref<!tpu.dma_semaphore, #tpu.memory_space<semaphore_mem>>) src(%arg2 : memref<8160xf32, #tpu.memory_space<hbm>>) dst(%arg4 : memref<8160xf32, #tpu.memory_space<vmem>>)
      tpu.yield
    }) : () -> ()
    %get3A = arith.constant 8128 : index
    %get3A_0 = tpu.vector_load %arg4[%get3A] {strides = array<i32>} : memref<8160xf32, #tpu.memory_space<vmem>>, vector<16xf32>,
    %get3A_1 = vector.shape_cast %get3A_0 : vector<16xf32> to vector<16xf32>
    %get3A_2 = arith.constant 8144 : index
    %get3A_3 = tpu.vector_load %arg4[%get3A_2] {strides = array<i32>} : memref<8160xf32, #tpu.memory_space<vmem>>, vector<16xf32>,
    %get3A_4 = vector.shape_cast %get3A_3 : vector<16xf32> to vector<16xf32>
    %get3A_5 = arith.constant 0 : index
    %get3A_6 = tpu.vector_load %arg4[%get3A_5] {strides = array<i32>} : memref<8160xf32, #tpu.memory_space<vmem>>, vector<16xf32>,
    %get3A_7 = vector.shape_cast %get3A_6 : vector<16xf32> to vector<16xf32>
    %get3A_8 = arith.constant 16 : index
    %get3A_9 = tpu.vector_load %arg4[%get3A_8] {strides = array<i32>} : memref<8160xf32, #tpu.memory_space<vmem>>, vector<16xf32>,
    %get3A_10 = vector.shape_cast %get3A_9 : vector<16xf32> to vector<16xf32>
    %mul3A = arith.constant 256 : i32
    %mul3A_11 = arith.muli %arg1, %mul3A : i32
    %add3A = arith.constant 263 : i32
    %add3A_12 = arith.addi %mul3A_11, %add3A : i32
    %jit3A = arith.constant 1921 : i32
    %max3A = arith.maxsi %mul3A_11, %jit3A : i32
    %min3A = arith.minsi %add3A_12, %max3A : i32
    %jit3A_13 = arith.constant 2174 : i32
    %max3A_14 = arith.maxsi %mul3A_11, %jit3A_13 : i32
    %min3A_15 = arith.minsi %add3A_12, %max3A_14 : i32
    %while3A = arith.constant 0 : i32
    %while3A_16 = arith.subi %min3A, %mul3A_11 : i32
    %while3A_17 = arith.addi %mul3A_11, %while3A_16 : i32
    %while3A_18 = arith.constant 1 : i32
    %while3A_19 = arith.divsi %while3A_16, %while3A_18 : i32
    %while3A_20 = arith.muli %while3A_19, %while3A_18 : i32
    %while3A_21 = arith.addi %mul3A_11, %while3A_20 : i32
    %while3A_22 = arith.constant 1 : i32
    scf.for %while3A_44 = %mul3A_11 to %while3A_21 step %while3A_22  : i32 {
      %sub3A = arith.subi %while3A_44, %mul3A_11 : i32
      %mul3A_45 = arith.constant 32 : i32
      %mul3A_46 = arith.muli %sub3A, %mul3A_45 : i32
      %swap3A = arith.index_cast %mul3A_46 : i32 to index
      %swap3A_47 = tpu.vector_load %arg5[%swap3A] {strides = array<i32>} : memref<8416xf32, #tpu.memory_space<vmem>>, vector<16xf32>,
      %swap3A_48 = vector.shape_cast %swap3A_47 : vector<16xf32> to vector<16xf32>
      %swap3A_49 = vector.shape_cast %get3A_1 : vector<16xf32> to vector<16xf32>
      tpu.vector_store %arg5[%swap3A], %swap3A_49 {strides = array<i32>} : memref<8416xf32, #tpu.memory_space<vmem>>, vector<16xf32>,
      %add3A_50 = arith.constant 16 : i32
      %add3A_51 = arith.addi %mul3A_46, %add3A_50 : i32
      %swap3A_52 = arith.index_cast %add3A_51 : i32 to index
      %swap3A_53 = tpu.vector_load %arg5[%swap3A_52] {strides = array<i32>} : memref<8416xf32, #tpu.memory_space<vmem>>, vector<16xf32>,
      %swap3A_54 = vector.shape_cast %swap3A_53 : vector<16xf32> to vector<16xf32>
      %swap3A_55 = vector.shape_cast %get3A_4 : vector<16xf32> to vector<16xf32>
      tpu.vector_store %arg5[%swap3A_52], %swap3A_55 {strides = array<i32>} : memref<8416xf32, #tpu.memory_space<vmem>>, vector<16xf32>,
    }
    %while3A_23 = arith.constant 1 : i32
    scf.for %while3A_44 = %while3A_21 to %while3A_17 step %while3A_23  : i32 {
      %sub3A = arith.subi %while3A_44, %mul3A_11 : i32
      %mul3A_45 = arith.constant 32 : i32
      %mul3A_46 = arith.muli %sub3A, %mul3A_45 : i32
      %swap3A = arith.index_cast %mul3A_46 : i32 to index
      %swap3A_47 = tpu.vector_load %arg5[%swap3A] {strides = array<i32>} : memref<8416xf32, #tpu.memory_space<vmem>>, vector<16xf32>,
      %swap3A_48 = vector.shape_cast %swap3A_47 : vector<16xf32> to vector<16xf32>
      %swap3A_49 = vector.shape_cast %get3A_1 : vector<16xf32> to vector<16xf32>
      tpu.vector_store %arg5[%swap3A], %swap3A_49 {strides = array<i32>} : memref<8416xf32, #tpu.memory_space<vmem>>, vector<16xf32>,
      %add3A_50 = arith.constant 16 : i32
      %add3A_51 = arith.addi %mul3A_46, %add3A_50 : i32
      %swap3A_52 = arith.index_cast %add3A_51 : i32 to index
      %swap3A_53 = tpu.vector_load %arg5[%swap3A_52] {strides = array<i32>} : memref<8416xf32, #tpu.memory_space<vmem>>, vector<16xf32>,
      %swap3A_54 = vector.shape_cast %swap3A_53 : vector<16xf32> to vector<16xf32>
      %swap3A_55 = vector.shape_cast %get3A_4 : vector<16xf32> to vector<16xf32>
      tpu.vector_store %arg5[%swap3A_52], %swap3A_55 {strides = array<i32>} : memref<8416xf32, #tpu.memory_space<vmem>>, vector<16xf32>,
    }
    %while3A_24 = arith.constant 0 : i32
    %while3A_25 = arith.subi %min3A_15, %min3A : i32
    %while3A_26 = arith.addi %min3A, %while3A_25 : i32
    %while3A_27 = arith.constant 1 : i32
    %while3A_28 = arith.divsi %while3A_25, %while3A_27 : i32
    %while3A_29 = arith.muli %while3A_28, %while3A_27 : i32
    %while3A_30 = arith.addi %min3A, %while3A_29 : i32
    %while3A_31 = arith.constant 1 : i32
    scf.for %while3A_44 = %min3A to %while3A_30 step %while3A_31  : i32 {
      %sub3A = arith.subi %while3A_44, %mul3A_11 : i32
      %mul3A_45 = arith.constant 32 : i32
      %mul3A_46 = arith.muli %sub3A, %mul3A_45 : i32
      %sub3A_47 = arith.constant 2174 : i32
      %sub3A_48 = arith.subi %sub3A_47, %while3A_44 : i32
      %mul3A_49 = arith.constant 32 : i32
      %mul3A_50 = arith.muli %sub3A_48, %mul3A_49 : i32
      %get3A_51 = arith.index_cast %mul3A_50 : i32 to index
      %get3A_52 = tpu.vector_load %arg4[%get3A_51] {strides = array<i32>} : memref<8160xf32, #tpu.memory_space<vmem>>, vector<16xf32>,
      %get3A_53 = vector.shape_cast %get3A_52 : vector<16xf32> to vector<16xf32>
      %swap3A = arith.index_cast %mul3A_46 : i32 to index
      %swap3A_54 = tpu.vector_load %arg5[%swap3A] {strides = array<i32>} : memref<8416xf32, #tpu.memory_space<vmem>>, vector<16xf32>,
      %swap3A_55 = vector.shape_cast %swap3A_54 : vector<16xf32> to vector<16xf32>
      %swap3A_56 = vector.shape_cast %get3A_53 : vector<16xf32> to vector<16xf32>
      tpu.vector_store %arg5[%swap3A], %swap3A_56 {strides = array<i32>} : memref<8416xf32, #tpu.memory_space<vmem>>, vector<16xf32>,
      %add3A_57 = arith.constant 16 : i32
      %add3A_58 = arith.addi %mul3A_50, %add3A_57 : i32
      %get3A_59 = arith.index_cast %add3A_58 : i32 to index
      %get3A_60 = tpu.vector_load %arg4[%get3A_59] {strides = array<i32>} : memref<8160xf32, #tpu.memory_space<vmem>>, vector<16xf32>,
      %get3A_61 = vector.shape_cast %get3A_60 : vector<16xf32> to vector<16xf32>
      %add3A_62 = arith.constant 16 : i32
      %add3A_63 = arith.addi %mul3A_46, %add3A_62 : i32
      %swap3A_64 = arith.index_cast %add3A_63 : i32 to index
      %swap3A_65 = tpu.vector_load %arg5[%swap3A_64] {strides = array<i32>} : memref<8416xf32, #tpu.memory_space<vmem>>, vector<16xf32>,
      %swap3A_66 = vector.shape_cast %swap3A_65 : vector<16xf32> to vector<16xf32>
      %swap3A_67 = vector.shape_cast %get3A_61 : vector<16xf32> to vector<16xf32>
      tpu.vector_store %arg5[%swap3A_64], %swap3A_67 {strides = array<i32>} : memref<8416xf32, #tpu.memory_space<vmem>>, vector<16xf32>,
    }
    %while3A_32 = arith.constant 1 : i32
    scf.for %while3A_44 = %while3A_30 to %while3A_26 step %while3A_32  : i32 {
      %sub3A = arith.subi %while3A_44, %mul3A_11 : i32
      %mul3A_45 = arith.constant 32 : i32
      %mul3A_46 = arith.muli %sub3A, %mul3A_45 : i32
      %sub3A_47 = arith.constant 2174 : i32
      %sub3A_48 = arith.subi %sub3A_47, %while3A_44 : i32
      %mul3A_49 = arith.constant 32 : i32
      %mul3A_50 = arith.muli %sub3A_48, %mul3A_49 : i32
      %get3A_51 = arith.index_cast %mul3A_50 : i32 to index
      %get3A_52 = tpu.vector_load %arg4[%get3A_51] {strides = array<i32>} : memref<8160xf32, #tpu.memory_space<vmem>>, vector<16xf32>,
      %get3A_53 = vector.shape_cast %get3A_52 : vector<16xf32> to vector<16xf32>
      %swap3A = arith.index_cast %mul3A_46 : i32 to index
      %swap3A_54 = tpu.vector_load %arg5[%swap3A] {strides = array<i32>} : memref<8416xf32, #tpu.memory_space<vmem>>, vector<16xf32>,
      %swap3A_55 = vector.shape_cast %swap3A_54 : vector<16xf32> to vector<16xf32>
      %swap3A_56 = vector.shape_cast %get3A_53 : vector<16xf32> to vector<16xf32>
      tpu.vector_store %arg5[%swap3A], %swap3A_56 {strides = array<i32>} : memref<8416xf32, #tpu.memory_space<vmem>>, vector<16xf32>,
      %add3A_57 = arith.constant 16 : i32
      %add3A_58 = arith.addi %mul3A_50, %add3A_57 : i32
      %get3A_59 = arith.index_cast %add3A_58 : i32 to index
      %get3A_60 = tpu.vector_load %arg4[%get3A_59] {strides = array<i32>} : memref<8160xf32, #tpu.memory_space<vmem>>, vector<16xf32>,
      %get3A_61 = vector.shape_cast %get3A_60 : vector<16xf32> to vector<16xf32>
      %add3A_62 = arith.constant 16 : i32
      %add3A_63 = arith.addi %mul3A_46, %add3A_62 : i32
      %swap3A_64 = arith.index_cast %add3A_63 : i32 to index
      %swap3A_65 = tpu.vector_load %arg5[%swap3A_64] {strides = array<i32>} : memref<8416xf32, #tpu.memory_space<vmem>>, vector<16xf32>,
      %swap3A_66 = vector.shape_cast %swap3A_65 : vector<16xf32> to vector<16xf32>
      %swap3A_67 = vector.shape_cast %get3A_61 : vector<16xf32> to vector<16xf32>
      tpu.vector_store %arg5[%swap3A_64], %swap3A_67 {strides = array<i32>} : memref<8416xf32, #tpu.memory_space<vmem>>, vector<16xf32>,
    }
    %while3A_33 = arith.constant 0 : i32
    %while3A_34 = arith.subi %add3A_12, %min3A_15 : i32
    %while3A_35 = arith.addi %min3A_15, %while3A_34 : i32
    %while3A_36 = arith.constant 1 : i32
    %while3A_37 = arith.divsi %while3A_34, %while3A_36 : i32
    %while3A_38 = arith.muli %while3A_37, %while3A_36 : i32
    %while3A_39 = arith.addi %min3A_15, %while3A_38 : i32
    %while3A_40 = arith.constant 1 : i32
    scf.for %while3A_44 = %min3A_15 to %while3A_39 step %while3A_40  : i32 {
      %sub3A = arith.subi %while3A_44, %mul3A_11 : i32
      %mul3A_45 = arith.constant 32 : i32
      %mul3A_46 = arith.muli %sub3A, %mul3A_45 : i32
      %swap3A = arith.index_cast %mul3A_46 : i32 to index
      %swap3A_47 = tpu.vector_load %arg5[%swap3A] {strides = array<i32>} : memref<8416xf32, #tpu.memory_space<vmem>>, vector<16xf32>,
      %swap3A_48 = vector.shape_cast %swap3A_47 : vector<16xf32> to vector<16xf32>
      %swap3A_49 = vector.shape_cast %get3A_7 : vector<16xf32> to vector<16xf32>
      tpu.vector_store %arg5[%swap3A], %swap3A_49 {strides = array<i32>} : memref<8416xf32, #tpu.memory_space<vmem>>, vector<16xf32>,
      %add3A_50 = arith.constant 16 : i32
      %add3A_51 = arith.addi %mul3A_46, %add3A_50 : i32
      %swap3A_52 = arith.index_cast %add3A_51 : i32 to index
      %swap3A_53 = tpu.vector_load %arg5[%swap3A_52] {strides = array<i32>} : memref<8416xf32, #tpu.memory_space<vmem>>, vector<16xf32>,
      %swap3A_54 = vector.shape_cast %swap3A_53 : vector<16xf32> to vector<16xf32>
      %swap3A_55 = vector.shape_cast %get3A_10 : vector<16xf32> to vector<16xf32>
      tpu.vector_store %arg5[%swap3A_52], %swap3A_55 {strides = array<i32>} : memref<8416xf32, #tpu.memory_space<vmem>>, vector<16xf32>,
    }
    %while3A_41 = arith.constant 1 : i32
    scf.for %while3A_44 = %while3A_39 to %while3A_35 step %while3A_41  : i32 {
      %sub3A = arith.subi %while3A_44, %mul3A_11 : i32
      %mul3A_45 = arith.constant 32 : i32
      %mul3A_46 = arith.muli %sub3A, %mul3A_45 : i32
      %swap3A = arith.index_cast %mul3A_46 : i32 to index
      %swap3A_47 = tpu.vector_load %arg5[%swap3A] {strides = array<i32>} : memref<8416xf32, #tpu.memory_space<vmem>>, vector<16xf32>,
      %swap3A_48 = vector.shape_cast %swap3A_47 : vector<16xf32> to vector<16xf32>
      %swap3A_49 = vector.shape_cast %get3A_7 : vector<16xf32> to vector<16xf32>
      tpu.vector_store %arg5[%swap3A], %swap3A_49 {strides = array<i32>} : memref<8416xf32, #tpu.memory_space<vmem>>, vector<16xf32>,
      %add3A_50 = arith.constant 16 : i32
      %add3A_51 = arith.addi %mul3A_46, %add3A_50 : i32
      %swap3A_52 = arith.index_cast %add3A_51 : i32 to index
      %swap3A_53 = tpu.vector_load %arg5[%swap3A_52] {strides = array<i32>} : memref<8416xf32, #tpu.memory_space<vmem>>, vector<16xf32>,
      %swap3A_54 = vector.shape_cast %swap3A_53 : vector<16xf32> to vector<16xf32>
      %swap3A_55 = vector.shape_cast %get3A_10 : vector<16xf32> to vector<16xf32>
      tpu.vector_store %arg5[%swap3A_52], %swap3A_55 {strides = array<i32>} : memref<8416xf32, #tpu.memory_space<vmem>>, vector<16xf32>,
    }
    %eq3A = arith.constant 0 : i32
    %eq3A_42 = arith.cmpi eq, %arg0, %eq3A : i32
    %convert_element_type3A = arith.extui %eq3A_42 : i1 to i32
    %cond3A = arith.constant 0 : i32
    %cond3A_43 = arith.cmpi ne, %convert_element_type3A, %cond3A : i32
    scf.if %cond3A_43 {
      %mul3A_44 = arith.constant 32 : i32
      %mul3A_45 = arith.muli %mul3A_11, %mul3A_44 : i32
      %add3A_46 = arith.constant 0 : i32
      %add3A_47 = arith.addi %add3A_46, %mul3A_45 : i32
      %dma_start3A = arith.constant 0 : i32
      %dma_start3A_48 = tpu.memref_slice %arg5[%dma_start3A] : memref<8416xf32, #tpu.memory_space<vmem>> -> memref<8192xf32, #tpu.memory_space<vmem>>
      %dma_start3A_49 = tpu.memref_slice %arg3[%add3A_47] : memref<1048576xf32, #tpu.memory_space<hbm>> -> memref<8192xf32, #tpu.memory_space<hbm>>
      %dma_start3A_50 = tpu.memref_slice %arg3[%add3A_47] : memref<1048576xf32, #tpu.memory_space<hbm>> -> memref<8192xf32, #tpu.memory_space<hbm>>
      %dma_start3A_51 = arith.constant 0 : i32
      %dma_start3A_52 = tpu.memref_slice %arg5[%dma_start3A_51] : memref<8416xf32, #tpu.memory_space<vmem>> -> memref<8192xf32, #tpu.memory_space<vmem>>
      tpu.enqueue_dma source(%dma_start3A_52 : memref<8192xf32, #tpu.memory_space<vmem>>) target(%dma_start3A_50 : memref<8192xf32, #tpu.memory_space<hbm>>) target_semaphore(%arg6 : memref<!tpu.dma_semaphore, #tpu.memory_space<semaphore_mem>>)
      %mul3A_53 = arith.constant 32 : i32
      %mul3A_54 = arith.muli %mul3A_11, %mul3A_53 : i32
      %add3A_55 = arith.constant 131072 : i32
      %add3A_56 = arith.addi %add3A_55, %mul3A_54 : i32
      %dma_start3A_57 = arith.constant 32 : i32
      %dma_start3A_58 = tpu.memref_slice %arg5[%dma_start3A_57] : memref<8416xf32, #tpu.memory_space<vmem>> -> memref<8192xf32, #tpu.memory_space<vmem>>
      %dma_start3A_59 = tpu.memref_slice %arg3[%add3A_56] : memref<1048576xf32, #tpu.memory_space<hbm>> -> memref<8192xf32, #tpu.memory_space<hbm>>
      %dma_start3A_60 = tpu.memref_slice %arg3[%add3A_56] : memref<1048576xf32, #tpu.memory_space<hbm>> -> memref<8192xf32, #tpu.memory_space<hbm>>
      %dma_start3A_61 = arith.constant 32 : i32
      %dma_start3A_62 = tpu.memref_slice %arg5[%dma_start3A_61] : memref<8416xf32, #tpu.memory_space<vmem>> -> memref<8192xf32, #tpu.memory_space<vmem>>
      tpu.enqueue_dma source(%dma_start3A_62 : memref<8192xf32, #tpu.memory_space<vmem>>) target(%dma_start3A_60 : memref<8192xf32, #tpu.memory_space<hbm>>) target_semaphore(%arg6 : memref<!tpu.dma_semaphore, #tpu.memory_space<semaphore_mem>>)
      %mul3A_63 = arith.constant 32 : i32
      %mul3A_64 = arith.muli %mul3A_11, %mul3A_63 : i32
      %add3A_65 = arith.constant 262144 : i32
      %add3A_66 = arith.addi %add3A_65, %mul3A_64 : i32
      %dma_start3A_67 = arith.constant 64 : i32
      %dma_start3A_68 = tpu.memref_slice %arg5[%dma_start3A_67] : memref<8416xf32, #tpu.memory_space<vmem>> -> memref<8192xf32, #tpu.memory_space<vmem>>
      %dma_start3A_69 = tpu.memref_slice %arg3[%add3A_66] : memref<1048576xf32, #tpu.memory_space<hbm>> -> memref<8192xf32, #tpu.memory_space<hbm>>
      %dma_start3A_70 = tpu.memref_slice %arg3[%add3A_66] : memref<1048576xf32, #tpu.memory_space<hbm>> -> memref<8192xf32, #tpu.memory_space<hbm>>
      %dma_start3A_71 = arith.constant 64 : i32
      %dma_start3A_72 = tpu.memref_slice %arg5[%dma_start3A_71] : memref<8416xf32, #tpu.memory_space<vmem>> -> memref<8192xf32, #tpu.memory_space<vmem>>
      tpu.enqueue_dma source(%dma_start3A_72 : memref<8192xf32, #tpu.memory_space<vmem>>) target(%dma_start3A_70 : memref<8192xf32, #tpu.memory_space<hbm>>) target_semaphore(%arg6 : memref<!tpu.dma_semaphore, #tpu.memory_space<semaphore_mem>>)
      %mul3A_73 = arith.constant 32 : i32
      %mul3A_74 = arith.muli %mul3A_11, %mul3A_73 : i32
      %add3A_75 = arith.constant 393216 : i32
      %add3A_76 = arith.addi %add3A_75, %mul3A_74 : i32
      %dma_start3A_77 = arith.constant 96 : i32
      %dma_start3A_78 = tpu.memref_slice %arg5[%dma_start3A_77] : memref<8416xf32, #tpu.memory_space<vmem>> -> memref<8192xf32, #tpu.memory_space<vmem>>
      %dma_start3A_79 = tpu.memref_slice %arg3[%add3A_76] : memref<1048576xf32, #tpu.memory_space<hbm>> -> memref<8192xf32, #tpu.memory_space<hbm>>
      %dma_start3A_80 = tpu.memref_slice %arg3[%add3A_76] : memref<1048576xf32, #tpu.memory_space<hbm>> -> memref<8192xf32, #tpu.memory_space<hbm>>
      %dma_start3A_81 = arith.constant 96 : i32
      %dma_start3A_82 = tpu.memref_slice %arg5[%dma_start3A_81] : memref<8416xf32, #tpu.memory_space<vmem>> -> memref<8192xf32, #tpu.memory_space<vmem>>
      tpu.enqueue_dma source(%dma_start3A_82 : memref<8192xf32, #tpu.memory_space<vmem>>) target(%dma_start3A_80 : memref<8192xf32, #tpu.memory_space<hbm>>) target_semaphore(%arg6 : memref<!tpu.dma_semaphore, #tpu.memory_space<semaphore_mem>>)
      %mul3A_83 = arith.constant 32 : i32
      %mul3A_84 = arith.muli %mul3A_11, %mul3A_83 : i32
      %add3A_85 = arith.constant 524288 : i32
      %add3A_86 = arith.addi %add3A_85, %mul3A_84 : i32
      %dma_start3A_87 = arith.constant 128 : i32
      %dma_start3A_88 = tpu.memref_slice %arg5[%dma_start3A_87] : memref<8416xf32, #tpu.memory_space<vmem>> -> memref<8192xf32, #tpu.memory_space<vmem>>
      %dma_start3A_89 = tpu.memref_slice %arg3[%add3A_86] : memref<1048576xf32, #tpu.memory_space<hbm>> -> memref<8192xf32, #tpu.memory_space<hbm>>
      %dma_start3A_90 = tpu.memref_slice %arg3[%add3A_86] : memref<1048576xf32, #tpu.memory_space<hbm>> -> memref<8192xf32, #tpu.memory_space<hbm>>
      %dma_start3A_91 = arith.constant 128 : i32
      %dma_start3A_92 = tpu.memref_slice %arg5[%dma_start3A_91] : memref<8416xf32, #tpu.memory_space<vmem>> -> memref<8192xf32, #tpu.memory_space<vmem>>
      tpu.enqueue_dma source(%dma_start3A_92 : memref<8192xf32, #tpu.memory_space<vmem>>) target(%dma_start3A_90 : memref<8192xf32, #tpu.memory_space<hbm>>) target_semaphore(%arg6 : memref<!tpu.dma_semaphore, #tpu.memory_space<semaphore_mem>>)
      %mul3A_93 = arith.constant 32 : i32
      %mul3A_94 = arith.muli %mul3A_11, %mul3A_93 : i32
      %add3A_95 = arith.constant 655360 : i32
      %add3A_96 = arith.addi %add3A_95, %mul3A_94 : i32
      %dma_start3A_97 = arith.constant 160 : i32
      %dma_start3A_98 = tpu.memref_slice %arg5[%dma_start3A_97] : memref<8416xf32, #tpu.memory_space<vmem>> -> memref<8192xf32, #tpu.memory_space<vmem>>
      %dma_start3A_99 = tpu.memref_slice %arg3[%add3A_96] : memref<1048576xf32, #tpu.memory_space<hbm>> -> memref<8192xf32, #tpu.memory_space<hbm>>
      %dma_start3A_100 = tpu.memref_slice %arg3[%add3A_96] : memref<1048576xf32, #tpu.memory_space<hbm>> -> memref<8192xf32, #tpu.memory_space<hbm>>
      %dma_start3A_101 = arith.constant 160 : i32
      %dma_start3A_102 = tpu.memref_slice %arg5[%dma_start3A_101] : memref<8416xf32, #tpu.memory_space<vmem>> -> memref<8192xf32, #tpu.memory_space<vmem>>
      tpu.enqueue_dma source(%dma_start3A_102 : memref<8192xf32, #tpu.memory_space<vmem>>) target(%dma_start3A_100 : memref<8192xf32, #tpu.memory_space<hbm>>) target_semaphore(%arg6 : memref<!tpu.dma_semaphore, #tpu.memory_space<semaphore_mem>>)
      %mul3A_103 = arith.constant 32 : i32
      %mul3A_104 = arith.muli %mul3A_11, %mul3A_103 : i32
      %add3A_105 = arith.constant 786432 : i32
      %add3A_106 = arith.addi %add3A_105, %mul3A_104 : i32
      %dma_start3A_107 = arith.constant 192 : i32
      %dma_start3A_108 = tpu.memref_slice %arg5[%dma_start3A_107] : memref<8416xf32, #tpu.memory_space<vmem>> -> memref<8192xf32, #tpu.memory_space<vmem>>
      %dma_start3A_109 = tpu.memref_slice %arg3[%add3A_106] : memref<1048576xf32, #tpu.memory_space<hbm>> -> memref<8192xf32, #tpu.memory_space<hbm>>
      %dma_start3A_110 = tpu.memref_slice %arg3[%add3A_106] : memref<1048576xf32, #tpu.memory_space<hbm>> -> memref<8192xf32, #tpu.memory_space<hbm>>
      %dma_start3A_111 = arith.constant 192 : i32
      %dma_start3A_112 = tpu.memref_slice %arg5[%dma_start3A_111] : memref<8416xf32, #tpu.memory_space<vmem>> -> memref<8192xf32, #tpu.memory_space<vmem>>
      tpu.enqueue_dma source(%dma_start3A_112 : memref<8192xf32, #tpu.memory_space<vmem>>) target(%dma_start3A_110 : memref<8192xf32, #tpu.memory_space<hbm>>) target_semaphore(%arg6 : memref<!tpu.dma_semaphore, #tpu.memory_space<semaphore_mem>>)
      %mul3A_113 = arith.constant 32 : i32
      %mul3A_114 = arith.muli %mul3A_11, %mul3A_113 : i32
      %add3A_115 = arith.constant 917504 : i32
      %add3A_116 = arith.addi %add3A_115, %mul3A_114 : i32
      %dma_start3A_117 = arith.constant 224 : i32
      %dma_start3A_118 = tpu.memref_slice %arg5[%dma_start3A_117] : memref<8416xf32, #tpu.memory_space<vmem>> -> memref<8192xf32, #tpu.memory_space<vmem>>
      %dma_start3A_119 = tpu.memref_slice %arg3[%add3A_116] : memref<1048576xf32, #tpu.memory_space<hbm>> -> memref<8192xf32, #tpu.memory_space<hbm>>
      %dma_start3A_120 = tpu.memref_slice %arg3[%add3A_116] : memref<1048576xf32, #tpu.memory_space<hbm>> -> memref<8192xf32, #tpu.memory_space<hbm>>
      %dma_start3A_121 = arith.constant 224 : i32
      %dma_start3A_122 = tpu.memref_slice %arg5[%dma_start3A_121] : memref<8416xf32, #tpu.memory_space<vmem>> -> memref<8192xf32, #tpu.memory_space<vmem>>
      tpu.enqueue_dma source(%dma_start3A_122 : memref<8192xf32, #tpu.memory_space<vmem>>) target(%dma_start3A_120 : memref<8192xf32, #tpu.memory_space<hbm>>) target_semaphore(%arg6 : memref<!tpu.dma_semaphore, #tpu.memory_space<semaphore_mem>>)
      %dma_wait3A = arith.constant 0 : i32
      %dma_wait3A_123 = tpu.memref_slice %arg5[%dma_wait3A] : memref<8416xf32, #tpu.memory_space<vmem>> -> memref<8192xf32, #tpu.memory_space<vmem>>
      %dma_wait3A_124 = tpu.memref_slice %arg3[%add3A_47] : memref<1048576xf32, #tpu.memory_space<hbm>> -> memref<8192xf32, #tpu.memory_space<hbm>>
      %dma_wait3A_125 = tpu.memref_slice %arg3[%add3A_47] : memref<1048576xf32, #tpu.memory_space<hbm>> -> memref<8192xf32, #tpu.memory_space<hbm>>
      %dma_wait3A_126 = arith.constant 0 : i32
      %dma_wait3A_127 = tpu.memref_slice %arg5[%dma_wait3A_126] : memref<8416xf32, #tpu.memory_space<vmem>> -> memref<8192xf32, #tpu.memory_space<vmem>>
      tpu.wait_dma2 semaphore(%arg6 : memref<!tpu.dma_semaphore, #tpu.memory_space<semaphore_mem>>) src(%dma_wait3A_127 : memref<8192xf32, #tpu.memory_space<vmem>>) dst(%dma_wait3A_125 : memref<8192xf32, #tpu.memory_space<hbm>>)
      %dma_wait3A_128 = arith.constant 32 : i32
      %dma_wait3A_129 = tpu.memref_slice %arg5[%dma_wait3A_128] : memref<8416xf32, #tpu.memory_space<vmem>> -> memref<8192xf32, #tpu.memory_space<vmem>>
      %dma_wait3A_130 = tpu.memref_slice %arg3[%add3A_56] : memref<1048576xf32, #tpu.memory_space<hbm>> -> memref<8192xf32, #tpu.memory_space<hbm>>
      %dma_wait3A_131 = tpu.memref_slice %arg3[%add3A_56] : memref<1048576xf32, #tpu.memory_space<hbm>> -> memref<8192xf32, #tpu.memory_space<hbm>>
      %dma_wait3A_132 = arith.constant 32 : i32
      %dma_wait3A_133 = tpu.memref_slice %arg5[%dma_wait3A_132] : memref<8416xf32, #tpu.memory_space<vmem>> -> memref<8192xf32, #tpu.memory_space<vmem>>
      tpu.wait_dma2 semaphore(%arg6 : memref<!tpu.dma_semaphore, #tpu.memory_space<semaphore_mem>>) src(%dma_wait3A_133 : memref<8192xf32, #tpu.memory_space<vmem>>) dst(%dma_wait3A_131 : memref<8192xf32, #tpu.memory_space<hbm>>)
      %dma_wait3A_134 = arith.constant 64 : i32
      %dma_wait3A_135 = tpu.memref_slice %arg5[%dma_wait3A_134] : memref<8416xf32, #tpu.memory_space<vmem>> -> memref<8192xf32, #tpu.memory_space<vmem>>
      %dma_wait3A_136 = tpu.memref_slice %arg3[%add3A_66] : memref<1048576xf32, #tpu.memory_space<hbm>> -> memref<8192xf32, #tpu.memory_space<hbm>>
      %dma_wait3A_137 = tpu.memref_slice %arg3[%add3A_66] : memref<1048576xf32, #tpu.memory_space<hbm>> -> memref<8192xf32, #tpu.memory_space<hbm>>
      %dma_wait3A_138 = arith.constant 64 : i32
      %dma_wait3A_139 = tpu.memref_slice %arg5[%dma_wait3A_138] : memref<8416xf32, #tpu.memory_space<vmem>> -> memref<8192xf32, #tpu.memory_space<vmem>>
      tpu.wait_dma2 semaphore(%arg6 : memref<!tpu.dma_semaphore, #tpu.memory_space<semaphore_mem>>) src(%dma_wait3A_139 : memref<8192xf32, #tpu.memory_space<vmem>>) dst(%dma_wait3A_137 : memref<8192xf32, #tpu.memory_space<hbm>>)
      %dma_wait3A_140 = arith.constant 96 : i32
      %dma_wait3A_141 = tpu.memref_slice %arg5[%dma_wait3A_140] : memref<8416xf32, #tpu.memory_space<vmem>> -> memref<8192xf32, #tpu.memory_space<vmem>>
      %dma_wait3A_142 = tpu.memref_slice %arg3[%add3A_76] : memref<1048576xf32, #tpu.memory_space<hbm>> -> memref<8192xf32, #tpu.memory_space<hbm>>
      %dma_wait3A_143 = tpu.memref_slice %arg3[%add3A_76] : memref<1048576xf32, #tpu.memory_space<hbm>> -> memref<8192xf32, #tpu.memory_space<hbm>>
      %dma_wait3A_144 = arith.constant 96 : i32
      %dma_wait3A_145 = tpu.memref_slice %arg5[%dma_wait3A_144] : memref<8416xf32, #tpu.memory_space<vmem>> -> memref<8192xf32, #tpu.memory_space<vmem>>
      tpu.wait_dma2 semaphore(%arg6 : memref<!tpu.dma_semaphore, #tpu.memory_space<semaphore_mem>>) src(%dma_wait3A_145 : memref<8192xf32, #tpu.memory_space<vmem>>) dst(%dma_wait3A_143 : memref<8192xf32, #tpu.memory_space<hbm>>)
      %dma_wait3A_146 = arith.constant 128 : i32
      %dma_wait3A_147 = tpu.memref_slice %arg5[%dma_wait3A_146] : memref<8416xf32, #tpu.memory_space<vmem>> -> memref<8192xf32, #tpu.memory_space<vmem>>
      %dma_wait3A_148 = tpu.memref_slice %arg3[%add3A_86] : memref<1048576xf32, #tpu.memory_space<hbm>> -> memref<8192xf32, #tpu.memory_space<hbm>>
      %dma_wait3A_149 = tpu.memref_slice %arg3[%add3A_86] : memref<1048576xf32, #tpu.memory_space<hbm>> -> memref<8192xf32, #tpu.memory_space<hbm>>
      %dma_wait3A_150 = arith.constant 128 : i32
      %dma_wait3A_151 = tpu.memref_slice %arg5[%dma_wait3A_150] : memref<8416xf32, #tpu.memory_space<vmem>> -> memref<8192xf32, #tpu.memory_space<vmem>>
      tpu.wait_dma2 semaphore(%arg6 : memref<!tpu.dma_semaphore, #tpu.memory_space<semaphore_mem>>) src(%dma_wait3A_151 : memref<8192xf32, #tpu.memory_space<vmem>>) dst(%dma_wait3A_149 : memref<8192xf32, #tpu.memory_space<hbm>>)
      %dma_wait3A_152 = arith.constant 160 : i32
      %dma_wait3A_153 = tpu.memref_slice %arg5[%dma_wait3A_152] : memref<8416xf32, #tpu.memory_space<vmem>> -> memref<8192xf32, #tpu.memory_space<vmem>>
      %dma_wait3A_154 = tpu.memref_slice %arg3[%add3A_96] : memref<1048576xf32, #tpu.memory_space<hbm>> -> memref<8192xf32, #tpu.memory_space<hbm>>
      %dma_wait3A_155 = tpu.memref_slice %arg3[%add3A_96] : memref<1048576xf32, #tpu.memory_space<hbm>> -> memref<8192xf32, #tpu.memory_space<hbm>>
      %dma_wait3A_156 = arith.constant 160 : i32
      %dma_wait3A_157 = tpu.memref_slice %arg5[%dma_wait3A_156] : memref<8416xf32, #tpu.memory_space<vmem>> -> memref<8192xf32, #tpu.memory_space<vmem>>
      tpu.wait_dma2 semaphore(%arg6 : memref<!tpu.dma_semaphore, #tpu.memory_space<semaphore_mem>>) src(%dma_wait3A_157 : memref<8192xf32, #tpu.memory_space<vmem>>) dst(%dma_wait3A_155 : memref<8192xf32, #tpu.memory_space<hbm>>)
      %dma_wait3A_158 = arith.constant 192 : i32
      %dma_wait3A_159 = tpu.memref_slice %arg5[%dma_wait3A_158] : memref<8416xf32, #tpu.memory_space<vmem>> -> memref<8192xf32, #tpu.memory_space<vmem>>
      %dma_wait3A_160 = tpu.memref_slice %arg3[%add3A_106] : memref<1048576xf32, #tpu.memory_space<hbm>> -> memref<8192xf32, #tpu.memory_space<hbm>>
      %dma_wait3A_161 = tpu.memref_slice %arg3[%add3A_106] : memref<1048576xf32, #tpu.memory_space<hbm>> -> memref<8192xf32, #tpu.memory_space<hbm>>
      %dma_wait3A_162 = arith.constant 192 : i32
      %dma_wait3A_163 = tpu.memref_slice %arg5[%dma_wait3A_162] : memref<8416xf32, #tpu.memory_space<vmem>> -> memref<8192xf32, #tpu.memory_space<vmem>>
      tpu.wait_dma2 semaphore(%arg6 : memref<!tpu.dma_semaphore, #tpu.memory_space<semaphore_mem>>) src(%dma_wait3A_163 : memref<8192xf32, #tpu.memory_space<vmem>>) dst(%dma_wait3A_161 : memref<8192xf32, #tpu.memory_space<hbm>>)
      %dma_wait3A_164 = arith.constant 224 : i32
      %dma_wait3A_165 = tpu.memref_slice %arg5[%dma_wait3A_164] : memref<8416xf32, #tpu.memory_space<vmem>> -> memref<8192xf32, #tpu.memory_space<vmem>>
      %dma_wait3A_166 = tpu.memref_slice %arg3[%add3A_116] : memref<1048576xf32, #tpu.memory_space<hbm>> -> memref<8192xf32, #tpu.memory_space<hbm>>
      %dma_wait3A_167 = tpu.memref_slice %arg3[%add3A_116] : memref<1048576xf32, #tpu.memory_space<hbm>> -> memref<8192xf32, #tpu.memory_space<hbm>>
      %dma_wait3A_168 = arith.constant 224 : i32
      %dma_wait3A_169 = tpu.memref_slice %arg5[%dma_wait3A_168] : memref<8416xf32, #tpu.memory_space<vmem>> -> memref<8192xf32, #tpu.memory_space<vmem>>
      tpu.wait_dma2 semaphore(%arg6 : memref<!tpu.dma_semaphore, #tpu.memory_space<semaphore_mem>>) src(%dma_wait3A_169 : memref<8192xf32, #tpu.memory_space<vmem>>) dst(%dma_wait3A_167 : memref<8192xf32, #tpu.memory_space<hbm>>)
    } else {
    }
    return
  }
}

module attributes {stable_mosaic.version = 14 : i64} {
  func.func @_tc_emit_body(%arg0: memref<32768x32xf32, #tpu.memory_space<any>>, %arg1: memref<2048x2048x32xf32, #tpu.memory_space<any>>, %arg2: memref<32768x32xf32, #tpu.memory_space<vmem>>, %arg3: memref<!tpu.dma_semaphore, #tpu.memory_space<semaphore_mem>>, %arg4: memref<!tpu.dma_semaphore, #tpu.memory_space<semaphore_mem>>) attributes {dimension_semantics = [], scalar_prefetch = 0 : i64, scratch_operands = 3 : i64, tpu.core_type = #tpu.core_type<tc>} {
    tpu.enqueue_dma source(%arg0 : memref<32768x32xf32, #tpu.memory_space<any>>) target(%arg2 : memref<32768x32xf32, #tpu.memory_space<vmem>>) target_semaphore(%arg3 : memref<!tpu.dma_semaphore, #tpu.memory_space<semaphore_mem>>)
    tpu.wait_dma2 semaphore(%arg3 : memref<!tpu.dma_semaphore, #tpu.memory_space<semaphore_mem>>) src(%arg0 : memref<32768x32xf32, #tpu.memory_space<any>>) dst(%arg2 : memref<32768x32xf32, #tpu.memory_space<vmem>>)
    %scan3A = arith.constant 0 : i32
    %scan3A_0 = arith.constant 2048 : i32
    %scan3A_1 = arith.addi %scan3A, %scan3A_0 : i32
    %scan3A_2 = arith.constant 1 : i32
    scf.for %scan3A_8 = %scan3A to %scan3A_1 step %scan3A_2  : i32 {
      %sub3A = arith.constant 2047 : i32
      %sub3A_9 = arith.subi %sub3A, %scan3A_8 : i32
      %jit3A = arith.constant 8 : i32
      %eq3A = arith.constant 0 : i32
      %eq3A_10 = arith.cmpi eq, %jit3A, %eq3A : i32
      %jit3A_11 = arith.constant 1 : i32
      %select_n3A = arith.select %eq3A_10, %jit3A_11, %jit3A : i32
      %rem3A = arith.remsi %sub3A_9, %select_n3A : i32
      %ne3A = arith.constant 0 : i32
      %ne3A_12 = arith.cmpi ne, %rem3A, %ne3A : i32
      %lt3A = arith.constant 0 : i32
      %lt3A_13 = arith.cmpi slt, %rem3A, %lt3A : i32
      %lt3A_14 = arith.constant 0 : i32
      %lt3A_15 = arith.cmpi slt, %select_n3A, %lt3A_14 : i32
      %ne3A_16 = arith.xori %lt3A_13, %lt3A_15 : i1
      %and3A = arith.andi %ne3A_16, %ne3A_12 : i1
      %add3A = arith.addi %rem3A, %select_n3A : i32
      %select_n3A_17 = arith.select %and3A, %add3A, %rem3A : i32
      %mul3A = arith.constant 4096 : i32
      %mul3A_18 = arith.muli %select_n3A_17, %mul3A : i32
      %sub3A_19 = arith.subi %sub3A_9, %select_n3A_17 : i32
      %add3A_20 = arith.addi %mul3A_18, %sub3A_19 : i32
      %dma_start3A = arith.constant 0 : i32
      %dma_start3A_21 = arith.constant 0 : i32
      %dma_start3A_22 = tpu.memref_slice %arg1[%scan3A_8, %dma_start3A, %dma_start3A_21] : memref<2048x2048x32xf32, #tpu.memory_space<any>> -> memref<1x2048x32xf32, #tpu.memory_space<any>>
      %dma_start3A_23 = tpu.memref_squeeze %dma_start3A_22 : memref<1x2048x32xf32, #tpu.memory_space<any>> -> memref<2048x32xf32, #tpu.memory_space<any>>
      %dma_start3A_24 = arith.constant 0 : i32
      %dma_start3A_25 = tpu.memref_slice %arg2[%add3A_20, %dma_start3A_24] : memref<32768x32xf32, #tpu.memory_space<vmem>> -> memref<2048x32xf32, #tpu.memory_space<vmem>>
      tpu.enqueue_dma source(%dma_start3A_25 : memref<2048x32xf32, #tpu.memory_space<vmem>>) target(%dma_start3A_23 : memref<2048x32xf32, #tpu.memory_space<any>>) target_semaphore(%arg4 : memref<!tpu.dma_semaphore, #tpu.memory_space<semaphore_mem>>)
    }
    %scan3A_3 = arith.constant 2048 : i32
    %scan3A_4 = arith.constant 0 : i32
    %scan3A_5 = arith.constant 2048 : i32
    %scan3A_6 = arith.addi %scan3A_4, %scan3A_5 : i32
    %scan3A_7 = arith.constant 1 : i32
    scf.for %scan3A_8 = %scan3A_4 to %scan3A_6 step %scan3A_7  : i32 {
      %dma_wait3A = arith.constant 0 : i32
      %dma_wait3A_9 = arith.constant 0 : i32
      %dma_wait3A_10 = arith.constant 0 : i32
      %dma_wait3A_11 = tpu.memref_slice %arg1[%dma_wait3A, %dma_wait3A_9, %dma_wait3A_10] : memref<2048x2048x32xf32, #tpu.memory_space<any>> -> memref<1x2048x32xf32, #tpu.memory_space<any>>
      %dma_wait3A_12 = tpu.memref_squeeze %dma_wait3A_11 : memref<1x2048x32xf32, #tpu.memory_space<any>> -> memref<2048x32xf32, #tpu.memory_space<any>>
      %dma_wait3A_13 = arith.constant 0 : i32
      %dma_wait3A_14 = arith.constant 0 : i32
      %dma_wait3A_15 = tpu.memref_slice %arg2[%dma_wait3A_13, %dma_wait3A_14] : memref<32768x32xf32, #tpu.memory_space<vmem>> -> memref<2048x32xf32, #tpu.memory_space<vmem>>
      tpu.wait_dma2 semaphore(%arg4 : memref<!tpu.dma_semaphore, #tpu.memory_space<semaphore_mem>>) src(%dma_wait3A_15 : memref<2048x32xf32, #tpu.memory_space<vmem>>) dst(%dma_wait3A_12 : memref<2048x32xf32, #tpu.memory_space<any>>)
    }
    return
  }
}

</mosaic_0001>

<sc_bundles>
// kernel: kernel.4.cloned.1.call-start
scs
__scs_entry_jumppad:
0x0: {  	(pc) =	sbr.rel $0x88, $3  }
0x1: {  	(tag) =	ssettag $0x0;
	lr =	simm.s32 $0x1  }
0x2: {  	[smem:$0x3FA0] =	sst lr;
	_ =	strace $0xD0000000  }
0x3: {  	_ = 	snop  }
0x4: {  	_ = 	snop  }
0x5: {  	_ = 	snop  }
0x6: {  	_ = 	snop  }
0x7: {  	_ = 	snop  }
__scs_overlays_trampoline_lowered:
0x8: {  	[smem:$0x3FAF] =	sst s0  }
0x9: {  	[smem:$0x3FB0] =	sst s1  }
0xa: {  	[smem:$0x3FB1] =	sst s2  }
0xb: {  	[smem:$0x3FB2] =	sst s3  }
0xc: {  	[smem:$0x3FB3] =	sst s4  }
0xd: {  	[smem:$0x3FB4] =	sst s5  }
0xe: {  	[smem:$0x3FB5] =	sst s6  }
0xf: {  	[smem:$0x3FB6] =	sst s7  }
0x10: {  	[smem:$0x3FB7] =	sst s8  }
0x11: {  	[smem:$0x3FB8] =	sst s9;
	s0 =	simm.s32 @!p0 $0x0  }
0x12: {  	s1 =	sld [smem:$0x3F9E];
	s0 =	simm.s32 @p0 $0x1  }
0x13: {  	[smem:$0x3FB9] =	sst s0;
	s0 =	simm.s32 @!p1 $0x0  }
0x14: {  	s2 =	sld [smem:$0x3F9D];
	s0 =	simm.s32 @p1 $0x1  }
0x15: {  	[smem:$0x3FBA] =	sst s0;
	s0 =	simm.s32 @!p2 $0x0  }
0x16: {  	s3 =	sld [smem:$0x3FDB];
	s0 =	simm.s32 @p2 $0x1  }
0x17: {  	s4 =	simm.s32 $0x1BF5;
	[smem:$0x3FBC] =	sst s0  }
0x18: {  	s0 =	sld [smem:$0x3F9F];
	_ =	swait.ge [sflag:s4], $0x0  }
0x19: {  	s7 =	sld [smem:$0x3FA0]  }
0x1a: {  	s8 =	sadd.s32 $0xFFFFE003, lr  }
0x1b: {  	s9 =	sadd.s32 $0xFFFFFEF7, lr;
	s5 =	simm.s32 $0xFFFFFFFF;
	p2 =	slt.u32 s8, $0xFFFFF086  }
0x1c: {  	p1 =	slt.u32 s9, $0xF7A;
	s5 =	simm.s32 @!p2 $0x0  }
0x1d: {  	s5 =	simm.s32 @p1 $0x1;
	p0 =	seq.s32 s7, s2  }
0x1e: {  	s7 =	smul.u32 @!p0 $0xF7A, s2;
	p2 =	seq.s32 @!p0 s5, $0x0  }
0x1f: {  	s9 =	smul.u32 $0xF7A, s1;
	s8 =	simm.s32 @!p0 $0x1BF5;
	p2 =	por !p2, p0  }
0x20: {  	[sflag:s8] =	ssyncset.s32 @!p0 $0xFFFFF086;
	s6 =	sadd.s32 @!p0 s3, s7;
	s7 =	simm.s32 @!p0 $0x108  }
0x21: {  	s3 =	sadd.s32 s3, s9;
	s6 =	sadd.s32 @!p0 $0x88, s6;
	s7 =	simm.s32 @p2 $0x1082  }
0x22: {  	[simem:s7], [sflag:s8] =	dma.local @!p0 [hbm:s6], $0xF7A  }
0x23: {  	s9 =	sor.u32 $0xD0000000, s2;
	s6 =	simm.s32 $0x108;
	_ =	swait.ge @!p0 [sflag:s8], $0x0  }
0x24: {  	s3 =	sadd.s32 $0x88, s3;
	s6 =	simm.s32 @!p1 $0x1082;
	[sflag:s4] =	ssyncset.s32 $0xFFFFF086  }
0x25: {  	[simem:s6], [sflag:s4] =	dma.local [hbm:s3], $0xF7A  }
0x26: {  	[smem:$0x3FA0] =	sst s1;
	(tag) =	ssettag s2;
	_ =	strace s9  }
0x27: {  	s1 =	sld [smem:$0x3FB0]  }
0x28: {  	s2 =	sld [smem:$0x3FB1]  }
0x29: {  	s4 =	sld [smem:$0x3FB3]  }
0x2a: {  	p0 =	seq.s32 s5, $0x0;
	s5 =	sld [smem:$0x3FB4]  }
0x2b: {  	s6 =	sld [smem:$0x3FB5]  }
0x2c: {  	s7 =	sld [smem:$0x3FB6]  }
0x2d: {  	s3 =	simm.s32 $0x108;
	s8 =	sld [smem:$0x3FB7]  }
0x2e: {  	s3 =	simm.s32 @!p0 $0x1082;
	s9 =	sld [smem:$0x3FB8]  }
0x2f: {  	lr =	sadd.s32 s0, s3;
	s0 =	sld [smem:$0x3FAF]  }
0x30: {  	s3 =	sld [smem:$0x3FB2]  }
0x31: {  	[smem:$0x3FBB] =	sst s10  }
0x32: {  	s10 =	sld [smem:$0x3FB9];
	_ =	sdelay $0x3  }
0x33: {  	p0 =	seq.s32 s10, $0x1;
	s10 =	sld [smem:$0x3FBB];
	_ =	sdelay $0x3  }
0x34: {  	[smem:$0x3FBB] =	sst s10  }
0x35: {  	s10 =	sld [smem:$0x3FBA];
	_ =	sdelay $0x3  }
0x36: {  	p1 =	seq.s32 s10, $0x1;
	s10 =	sld [smem:$0x3FBB];
	_ =	sdelay $0x3  }
0x37: {  	[smem:$0x3FBB] =	sst s10  }
0x38: {  	s10 =	sld [smem:$0x3FBC]  }
0x39: {  	_ = 	snop;
	(pc) =	sbr.ind lr, $3  }
0x3a: {  	_ = 	snop  }
0x3b: {  	_ = 	snop  }
0x3c: {  	p2 =	seq.s32 s10, $0x1;
	s10 =	sld [smem:$0x3FBB]  }
0x3d: {  	_ =	shalt  }
0x3e: {  	_ =	shalt  }
0x3f: {  	_ =	shalt  }
0x40: {  	_ =	shalt  }
0x41: {  	_ =	shalt  }
0x42: {  	_ =	shalt  }
0x43: {  	_ =	shalt  }
0x44: {  	_ =	shalt  }
0x45: {  	_ =	shalt  }
0x46: {  	_ =	shalt  }
0x47: {  	_ =	shalt  }
0x48: {  	_ =	shalt  }
0x49: {  	_ =	shalt  }
0x4a: {  	_ =	shalt  }
0x4b: {  	_ =	shalt  }
0x4c: {  	_ =	shalt  }
0x4d: {  	_ =	shalt  }
0x4e: {  	_ =	shalt  }
0x4f: {  	_ =	shalt  }
0x50: {  	_ =	shalt  }
0x51: {  	_ =	shalt  }
0x52: {  	_ =	shalt  }
0x53: {  	_ =	shalt  }
0x54: {  	_ =	shalt  }
0x55: {  	_ =	shalt  }
0x56: {  	_ =	shalt  }
0x57: {  	_ =	shalt  }
0x58: {  	_ =	shalt  }
0x59: {  	_ =	shalt  }
0x5a: {  	_ =	shalt  }
0x5b: {  	_ =	shalt  }
0x5c: {  	_ =	shalt  }
0x5d: {  	_ =	shalt  }
0x5e: {  	_ =	shalt  }
0x5f: {  	_ =	shalt  }
0x60: {  	_ =	shalt  }
0x61: {  	_ =	shalt  }
0x62: {  	_ =	shalt  }
0x63: {  	_ =	shalt  }
0x64: {  	_ =	shalt  }
0x65: {  	_ =	shalt  }
0x66: {  	_ =	shalt  }
0x67: {  	_ =	shalt  }
0x68: {  	_ =	shalt  }
0x69: {  	_ =	shalt  }
0x6a: {  	_ =	shalt  }
0x6b: {  	_ =	shalt  }
0x6c: {  	_ =	shalt  }
0x6d: {  	_ =	shalt  }
0x6e: {  	_ =	shalt  }
0x6f: {  	_ =	shalt  }
0x70: {  	_ =	shalt  }
0x71: {  	_ =	shalt  }
0x72: {  	_ =	shalt  }
0x73: {  	_ =	shalt  }
0x74: {  	_ =	shalt  }
0x75: {  	_ =	shalt  }
0x76: {  	_ =	shalt  }
0x77: {  	_ =	shalt  }
0x78: {  	_ =	shalt  }
0x79: {  	_ =	shalt  }
0x7a: {  	_ =	shalt  }
0x7b: {  	_ =	shalt  }
0x7c: {  	_ =	shalt  }
0x7d: {  	_ =	shalt  }
0x7e: {  	_ =	shalt  }
0x7f: {  	_ =	shalt  }
0x80: {  	_ =	shalt  }
0x81: {  	_ =	shalt  }
0x82: {  	_ =	shalt  }
0x83: {  	_ =	shalt  }
0x84: {  	_ =	shalt  }
0x85: {  	_ =	shalt  }
0x86: {  	_ =	shalt  }
0x87: {  	_ =	shalt  }
.Lfunc_end0:
.L_simem_size_0:
called_computation_lowered:
.L_overlay_start_0:
0x88: {  	s2 =	sld [smem:$0x3FD9]  }
0x89: {  	s3 =	sld [smem:$0x3FFE];
	_ =	sdelay $0x1  }
0x8a: {  	s1 =	srdreg.scid  }
0x8b: {  	s0 =	sand.u32 $0x1, s1  }
0x8c: {  	s17 =	sshll.u32 s0, $0xA;
	s2 =	sadd.s32 s3, s2  }
0x8d: {  	s2 =	sadd.s32 s2, s17  }
0x8e: {  	[smem:$0x3FC7] =	sst s2  }
0x8f: {  	_ = 	snop  }
0x90: {  	s2 =	sld [smem:$0x3FD0];
	(tm) =	ssettm $0x1  }
0x91: {  	s18 =	sld [smem:$0x3FFB];
	_ =	sdelay $0x3  }
0x92: {  	_ =	strace s18  }
0x93: {  	s3 =	sld [smem:$0x3FFC];
	_ =	sdelay $0x3  }
0x94: {  	_ =	strace s3  }
0x95: {  	s3 =	sld [smem:$0x3FFD];
	_ =	sdelay $0x3  }
0x96: {  	_ =	strace s3  }
0x97: {  	_ =	strace $0x8FFFFFFF  }
0x98: {  	s19 =	sld [smem:$0x3FDB];
	_ =	sdelay $0x1  }
0x99: {  	s4 =	simm.s32 $_scs_section_size  }
0x9a: {  	s5 =	simm.s32 $_size__tile_overlayer_lowered;
	s6 =	simm.s32 $_tile_overlayer_lowered  }
0x9b: {  	s22 =	simm.s32 $0x1BFF;
	s21 =	sshll.u32 s6, $0x1;
	s3 =	sadd.s32 s4, s19  }
0x9c: {  	s7 =	simm.s32 $0x0;
	s20 =	sshll.u32 s5, $0x1;
	s5 =	sadd.s32 s21, s3  }
0x9d: {  	[timem:s7], [sflag:s22] =	dma.local [hbm:s5], s20  }
0x9e: {  	_ =	swait.ge [sflag:s22], s20  }
0x9f: {  	s4 =	ssub.s32 $0x0, s20;
	[sflag:s22] =	ssyncset.done $0x0  }
0xa0: {  	[sflag:s22] =	ssyncadd.s32 s4;
	_ =	sdelay $0x1  }
0xa1: {  	s23 =	simm.s32 $0x1B8B  }
0xa2: {  	_ =	swait.ge [sflag:s23], $0x1  }
0xa3: {  	[sflag:s23] =	ssyncset.done $0x0  }
0xa4: {  	s25 =	simm.s32 $0x1B8E;
	s24 =	sld [smem:$0x3FFE];
	[sflag:s23] =	ssyncadd.s32 $0xFFFFFFFF  }
0xa5: {  	s26 =	simm.s32 $execute0_lowered;
	[smem:$0x3FD2] =	sst s25  }
0xa6: {  	s5 =	sshll.u32 s26, $0x1;
	_ =	strace $0x80000046;
	[dreg:$0x1] =	wrdreg $0xFFFFFFFF  }
0xa7: {  	s28 =	simm.s32 $_size_execute0_lowered;
	s3 =	sadd.s32 s3, s5;
	[dreg:$0x0] =	wrdreg $0x0  }
0xa8: {  	s5 =	sshll.u32 s28, $0x1;
	[dreg:$0x2] =	wrdreg s3  }
0xa9: {  	[dreg:$0x3] =	wrdreg s5  }
0xaa: {  	[dreg:$0x4] =	wrdreg $0xC0  }
0xab: {  	_ =	task [dreg:s7], $0x5FFFF  }
0xac: {  	[dreg:$0x1] =	wrdreg $0xFFFFFFFF  }
0xad: {  	[dreg:$0x0] =	wrdreg $0x60  }
0xae: {  	[dreg:$0x2] =	wrdreg s24  }
0xaf: {  	[dreg:$0x3] =	wrdreg s2  }
0xb0: {  	[dreg:$0x4] =	wrdreg $0x9  }
0xb1: {  	_ =	task.clear_ibuf [dreg:s7], $0x5FFFF;
	_ =	strace $0x90000046  }
0xb2: {  	s29 =	simm.s32 $0x9;
	_ =	strace $0x80000048  }
0xb3: {  	_ =	swait.ge [sflag:s29], $0x1  }
0xb4: {  	[sflag:s29] =	ssyncadd.s32 $0xFFFFFFFF  }
0xb5: {  	_ =	strace $0x90000048  }
0xb6: {  	_ =	sfence  }
0xb7: {  	s30 =	sld [smem:$0x0];
	_ =	sdelay $0x2  }
0xb8: {  	s31 =	sshll.u32 s1, $0xD;
	s1 =	sshrl.u32 s1, $0x2  }
0xb9: {  	s3 =	sand.u32 $0x4000, s31;
	s1 =	sadd.s32 s1, s30  }
0xba: {  	s0 =	sor.u32 s3, s0;
	s1 =	sshll.u32 s1, $0x11  }
0xbb: {  	s0 =	sor.u32 s1, s0  }
0xbc: {  	s0 =	sadd.s32 $0x8F2B, s0  }
0xbd: {  	[sflag:s0] =	ssyncadd.remote.s32 $0x1  }
0xbe: {  	_ =	sfence.sel $0xFFFF  }
0xbf: {  	[dreg:$0x0] =	wrdreg $0xFFFFFFFF;
	(pc) =	sbr.abs _section_cstart, $3  }
0xc0: {  	[dreg:$0x1] =	wrdreg $0xFFFFFFFF  }
0xc1: {  	_ =	task.clear_ibuf [dreg:s7], $0x2FFFF;
	_ =	strace $0x9FFFFFFF  }
0xc2: {  	(tm) =	ssettm $0x7FFFFFFF  }
0xc3: {  	_ =	shalt  }
tec
execute0_lowered:
.L_overlay_start_1:
0x0: {  	(tag) =	ssettag $0x1  }
0x1: {  	s4 =	rddreg [dreg:$0x0]  }
0x2: {  	s8 =	rddreg [dreg:$0x1]  }
0x3: {  	s1 =	srdreg.scid;
	s0 =	rddreg [dreg:$0x2];
	s2 =	simm.s32 $0x0  }
0x4: {  	s21 =	sand.u32 $0x1, s1;
	[smem:$0x7FF] =	sst s2  }
0x5: {  	s1 =	stileid.u32;
	s4 =	sadd.s32 $0x400, s4;
	s5 =	ssub.s32 $0x2, s21  }
0x6: {  	_ =	strace $0x80000047;
	s3 =	sshll.u32 s1, $0x8;
	s9 =	sshll.u32 s1, $0xA  }
0x7: {  	s18 =	sshll.u32 s1, $0xF;
	p0 =	slt.u32 s1, $0x8;
	p2 =	sgt.u32 s1, $0x7  }
0x8: {  	p3 =	sne.s32 s21, $0x0;
	s21 =	simm.s32 $0x0;
	s6 =	sshrl.u32 s5, $0x1  }
0x9: {  	s22 =	smax.u32 s3, $0x781;
	s7 =	smax.u32 s3, $0x87E;
	s8 =	sadd.s32 s8, s9  }
0xa: {  	s16 =	ssub.s32 s5, s6;
	s5 =	sadd.s32 $0x107, s3;
	s9 =	sadd.s32 $0x4000, s8  }
0xb: {  	s10 =	sadd.s32 $0x8000, s8;
	s11 =	sadd.s32 $0xC000, s8;
	s12 =	sadd.s32 $0x10000, s8  }
0xc: {  	s13 =	sadd.s32 $0x14000, s8;
	s14 =	sadd.s32 $0x18000, s8;
	s15 =	sadd.s32 $0x1C000, s8  }
0xd: {  	s6 =	smin.u32 s5, s22;
	s7 =	smin.u32 s5, s7;
	s16 =	smax.u32 s16, $0x1  }
.Ltmp0:
0xe: {  	s17 =	sshll.u32 s6, $0x7;
	s19 =	sshll.u32 s7, $0x7;
	(pc) =	sbr.rel .LBB2_1-.Ltmp0, $4  }
0xf: {  	p1 =	slt.u32 s22, s7;
	s20 =	ssub.s32 s17, s18;
	s18 =	ssub.s32 s19, s18  }
0x10: {  	s17 =	ssub.s32 $0x43F40, s17;
	s30 =	sor.u32 $0x40, s20;
	s18 =	sor.u32 $0x40, s18  }
0x11: {  	s17 =	sshra.s32 s17, $0x2;
	s19 =	sshra.s32 s30, $0x2;
	s31 =	sshra.s32 s18, $0x2  }
0x12: {  	s20 =	simm.s32 $0x2;
	s18 =	sadd.s32 $0x2000, s19;
	s19 =	sadd.s32 $0x2000, s31  }
.LBB2_9:
0x13: {  	[tilespmem:s23+$0x0] =	vst v0  }
.LBB2_10:
0x14: {  	s22 =	simm.s32 @!p3 $0x0;
	s23 =	simm.s32 @!p3 $0x2000  }
0x15: {  	[hbm4b:s8+s22] =	stream.linear.scatter @!p3 [tilespmem:s23], [sflag:$0x1], $0x2000, $0x38;
	[tilespmem:$0x4100] =	vst v63  }
0x16: {  	s23 =	simm.s32 @!p3 $0x2020  }
0x17: {  	[hbm4b:s9+s22] =	stream.linear.scatter @!p3 [tilespmem:s23], [sflag:$0x1], $0x2000, $0x38;
	[tilespmem:$0x4100] =	vst v63  }
0x18: {  	s23 =	simm.s32 @!p3 $0x2040  }
0x19: {  	[hbm4b:s10+s22] =	stream.linear.scatter @!p3 [tilespmem:s23], [sflag:$0x1], $0x2000, $0x38;
	[tilespmem:$0x4100] =	vst v63  }
0x1a: {  	s23 =	simm.s32 @!p3 $0x2060  }
0x1b: {  	[hbm4b:s11+s22] =	stream.linear.scatter @!p3 [tilespmem:s23], [sflag:$0x1], $0x2000, $0x38;
	[tilespmem:$0x4100] =	vst v63  }
0x1c: {  	s23 =	simm.s32 @!p3 $0x2080  }
0x1d: {  	[hbm4b:s12+s22] =	stream.linear.scatter @!p3 [tilespmem:s23], [sflag:$0x1], $0x2000, $0x38;
	[tilespmem:$0x4100] =	vst v63  }
0x1e: {  	s23 =	simm.s32 @!p3 $0x20A0  }
0x1f: {  	[hbm4b:s13+s22] =	stream.linear.scatter @!p3 [tilespmem:s23], [sflag:$0x1], $0x2000, $0x38;
	[tilespmem:$0x4100] =	vst v63  }
0x20: {  	s23 =	simm.s32 @!p3 $0x20C0  }
0x21: {  	[hbm4b:s14+s22] =	stream.linear.scatter @!p3 [tilespmem:s23], [sflag:$0x1], $0x2000, $0x38;
	[tilespmem:$0x4100] =	vst v63  }
0x22: {  	s23 =	simm.s32 @!p3 $0x20E0  }
0x23: {  	[hbm4b:s15+s22] =	stream.linear.scatter @!p3 [tilespmem:s23], [sflag:$0x1], $0x2000, $0x38;
	[tilespmem:$0x4100] =	vst v63  }
0x24: {  	s22 =	simm.s32 @!p3 $0x1  }
0x25: {  	_ =	swait.ge @!p3 [sflag:s22], $0x2000  }
0x26: {  	[sflag:s22] =	ssyncset.done @!p3 $0x0  }
0x27: {  	[sflag:s22] =	ssyncadd.s32 @!p3 $0xFFFFE000  }
0x28: {  	_ =	swait.ge @!p3 [sflag:s22], $0x2000  }
0x29: {  	[sflag:s22] =	ssyncset.done @!p3 $0x0  }
0x2a: {  	[sflag:s22] =	ssyncadd.s32 @!p3 $0xFFFFE000  }
0x2b: {  	_ =	swait.ge @!p3 [sflag:s22], $0x2000  }
0x2c: {  	[sflag:s22] =	ssyncset.done @!p3 $0x0  }
0x2d: {  	[sflag:s22] =	ssyncadd.s32 @!p3 $0xFFFFE000  }
0x2e: {  	_ =	swait.ge @!p3 [sflag:s22], $0x2000  }
0x2f: {  	[sflag:s22] =	ssyncset.done @!p3 $0x0  }
0x30: {  	[sflag:s22] =	ssyncadd.s32 @!p3 $0xFFFFE000  }
0x31: {  	_ =	swait.ge @!p3 [sflag:s22], $0x2000  }
0x32: {  	[sflag:s22] =	ssyncset.done @!p3 $0x0  }
0x33: {  	[sflag:s22] =	ssyncadd.s32 @!p3 $0xFFFFE000  }
0x34: {  	_ =	swait.ge @!p3 [sflag:s22], $0x2000  }
0x35: {  	[sflag:s22] =	ssyncset.done @!p3 $0x0  }
0x36: {  	s21 =	sadd.s32 $0x1, s21;
	[sflag:s22] =	ssyncadd.s32 @!p3 $0xFFFFE000  }
0x37: {  	p4 =	sne.s32 s21, s16;
	_ =	swait.ge @!p3 [sflag:s22], $0x2000  }
.Ltmp1:
0x38: {  	[sflag:s22] =	ssyncset.done @!p3 $0x0;
	(pc) =	sbr.rel @!p4 .LBB2_11-.Ltmp1, $4  }
0x39: {  	[sflag:s22] =	ssyncadd.s32 @!p3 $0xFFFFE000  }
0x3a: {  	_ =	swait.ge @!p3 [sflag:s22], $0x2000  }
0x3b: {  	[sflag:s22] =	ssyncset.done @!p3 $0x0  }
0x3c: {  	[sflag:s22] =	ssyncadd.s32 @!p3 $0xFFFFE000  }
.LBB2_1:
0x3d: {  	[tilespmem:s2], [sflag:$0x2] =	stream.linear.gather [hbm4b:s4+s2], $0x2000, $0x38;
	[tilespmem:$0x4100] =	vst v63  }
.Ltmp2:
0x3e: {  	_ =	swait.ge [sflag:s20], $0x2000;
	(pc) =	sbr.rel @!p0 .LBB2_5-.Ltmp2, $4  }
0x3f: {  	[sflag:s20] =	ssyncset.done $0x0  }
0x40: {  	[sflag:s20] =	ssyncadd.s32 $0xFFFFE000  }
0x41: {  	v1 =	vld [tilespmem:$0x0]  }
0x42: {  	v0 =	vld [tilespmem:$0x10]  }
0x43: {  	s23 =	sadd.s32 $0x1, s3  }
0x44: {  	v3 =	vld [tilespmem:$0x1FC0];
	p4 =	slt.u32 s23, s6  }
.Ltmp3:
0x45: {  	_ = 	snop;
	(pc) =	sbr.rel @!p4 .LBB2_4-.Ltmp3, $3  }
0x46: {  	_ =	sdelay $0x1  }
0x47: {  	s22 =	simm.s32 $0x2010  }
0x48: {  	v2 =	vld [tilespmem:$0x1FD0];
	[tilespmem:s22+$0xFFFFFFF0] =	vst v3  }
.LBB2_3:
0x49: {  	s23 =	sadd.s32 $0x1, s23  }
0x4a: {  	p4 =	slt.u32 s23, s6  }
.Ltmp4:
0x4b: {  	_ = 	snop;
	(pc) =	sbr.rel @p4 .LBB2_3-.Ltmp4, $3  }
0x4c: {  	_ =	sdelay $0x1  }
0x4d: {  	[tilespmem:s22+$0x0] =	vst v2;
	s22 =	sadd.s32 $0x20, s22  }
0x4e: {  	[tilespmem:s22+$0xFFFFFFF0] =	vst v3  }
.LBB2_4:
0x4f: {  	_ =	sdelay $0x3  }
0x50: {  	[tilespmem:s22+$0x0] =	vst v2  }
.LBB2_5:
.Ltmp5:
0x51: {  	(pc) =	sbr.rel @!p1 .LBB2_6-.Ltmp5, $1  }
0x52: {  	_ =	sdelay $0x3  }
0x53: {  	v2 =	vld [tilespmem:s17+$0xFFFFFFF0];
	_ =	sdelay $0x4  }
0x54: {  	s22 =	sadd.s32 $0x1, s6;
	[tilespmem:s18+$0xFFFFFFF0] =	vst v2  }
0x55: {  	p4 =	slt.u32 s22, s7;
	v2 =	vld [tilespmem:s17+$0x0]  }
.Ltmp6:
0x56: {  	_ = 	snop;
	(pc) =	sbr.rel @!p4 .LBB2_6-.Ltmp6, $2  }
0x57: {  	_ =	sdelay $0x2  }
0x58: {  	s23 =	sadd.s32 $0xFFFFFFE0, s17;
	s24 =	smov.u32 s18;
	[tilespmem:s18+$0x0] =	vst v2  }
.LBB2_13:
0x59: {  	v2 =	vld [tilespmem:s23+$0xFFFFFFF0];
	s22 =	sadd.s32 $0x1, s22  }
0x5a: {  	p4 =	slt.u32 s22, s7;
	_ =	sdelay $0x2  }
0x5b: {  	s24 =	sadd.s32 $0x20, s24  }
0x5c: {  	[tilespmem:s24+$0xFFFFFFF0] =	vst v2  }
0x5d: {  	v2 =	vld [tilespmem:s23+$0x0]  }
.Ltmp7:
0x5e: {  	(pc) =	sbr.rel @p4 .LBB2_13-.Ltmp7, $2  }
0x5f: {  	_ =	sdelay $0x2  }
0x60: {  	s23 =	sadd.s32 $0xFFFFFFE0, s23;
	[tilespmem:s24+$0x0] =	vst v2  }
.LBB2_6:
.Ltmp8:
0x61: {  	(pc) =	sbr.rel @!p2 .LBB2_10-.Ltmp8, $1  }
0x62: {  	_ =	sdelay $0x3  }
0x63: {  	s22 =	sadd.s32 $0x1, s7  }
0x64: {  	p4 =	slt.u32 s22, s5  }
.Ltmp9:
0x65: {  	_ = 	snop;
	(pc) =	sbr.rel @!p4 .LBB2_9-.Ltmp9, $2  }
0x66: {  	_ =	sdelay $0x2  }
0x67: {  	s23 =	smov.u32 s19;
	[tilespmem:s19+$0xFFFFFFF0] =	vst v1  }
.LBB2_8:
0x68: {  	s22 =	sadd.s32 $0x1, s22  }
0x69: {  	p4 =	slt.u32 s22, s5  }
.Ltmp10:
0x6a: {  	_ = 	snop;
	(pc) =	sbr.rel @p4 .LBB2_8-.Ltmp10, $3  }
0x6b: {  	_ =	sdelay $0x1  }
0x6c: {  	[tilespmem:s23+$0x0] =	vst v0;
	s23 =	sadd.s32 $0x20, s23  }
0x6d: {  	[tilespmem:s23+$0xFFFFFFF0] =	vst v1  }
.Ltmp11:
0x6e: {  	_ = 	snop;
	(pc) =	sbr.rel .LBB2_9-.Ltmp11, $1  }
0x6f: {  	_ =	sdelay $0x3  }
.LBB2_11:
0x70: {  	_ =	sfence.sel $0x180000  }
0x71: {  	[bflag:$0x0] =	sbarrier.arrive $0xFFFF  }
0x72: {  	p0 =	sne.s32 s1, $0x0;
	_ =	strace $0x90000047  }
0x73: {  	s0 =	sadd.s32 @!p0 $0x100000, s0;
	[bflag:$0x2] =	sbarrier.arrive $0xFFFF  }
0x74: {  	[sflag:s0] =	ssyncadd.tile.s32 @!p0 $0x1;
	_ =	shalt  }
.Lfunc_end2:
_tile_overlayer_lowered:
.L_overlay_start_2:
0x75: {  	(tag) =	ssettag $0x2  }
0x76: {  	s0 =	rddreg [dreg:$0x0];
	s2 =	stileid.u32  }
0x77: {  	s1 =	rddreg [dreg:$0x1];
	p0 =	sne.s32 s2, $0x0  }
0x78: {  	s3 =	rddreg [dreg:$0x2];
	[bflag:$0x3] =	sbarrier.arrive $0xFFFF;
	s2 =	simm.s32 @!p0 $0x1C02  }
0x79: {  	[timem:s3], [sflag:s2] =	dma.local @!p0 [hbm:s0], s1  }
0x7a: {  	s0 =	simm.s32 @!p0 $0x2  }
0x7b: {  	_ =	swait.ge @!p0 [sflag:s0], s1  }
0x7c: {  	s1 =	ssub.s32 @!p0 $0x0, s1;
	[sflag:s0] =	ssyncset.done @!p0 $0x0  }
0x7d: {  	[sflag:s0] =	ssyncadd.s32 @!p0 s1  }
0x7e: {  	[bflag:$0x3] =	sbarrier.arrive $0xFFFF  }
0x7f: {  	_ =	shalt  }

</sc_bundles>
